<compile_context>
chip_gen: v7x
topology: tpu7x:2x2x1
jax: 0.10.2.dev20260603
libtpu: 0.0.44.dev20260713+nightly
codegen_flags: <defaults>
</compile_context>

<pallas_src>
import functools

import jax
import jax.numpy as jnp
from jax import lax
from jax.experimental import pallas as pl
from jax.experimental.pallas import tpu as pltpu
from jax.experimental.pallas import tpu_sc as plsc

NUM_CORES = 2
NUM_SUBCORES = 16
NW = NUM_CORES * NUM_SUBCORES
BATCH = 1024
SEQ = 200
D = 64
TOTAL = BATCH * SEQ
RPW = TOTAL // NW
W = 128
CPW = RPW // W
NBUF = 5
assert CPW % NBUF == 0


def _sc_gather(token_table, idx3):
    mesh = plsc.VectorSubcoreMesh(core_axis_name="c", subcore_axis_name="s")

    @functools.partial(
        pl.kernel,
        out_type=jax.ShapeDtypeStruct((TOTAL, 2 * D), jnp.float32),
        mesh=mesh,
        scratch_types=(
            [pltpu.VMEM((CPW, W), jnp.int32)]
            + [pltpu.VMEM((W, 2 * D), jnp.float32) for _ in range(NBUF)]
            + [pltpu.SemaphoreType.DMA for _ in range(2 * NBUF)]
        ),
        compiler_params=pltpu.CompilerParams(use_tc_tiling_on_sc=True),
    )
    def k(table_hbm, idx_hbm, out_hbm, idx_v, *bufs_and_sems):
        bufs = bufs_and_sems[:NBUF]
        gsem = bufs_and_sems[NBUF:2 * NBUF]
        wsem = bufs_and_sems[2 * NBUF:3 * NBUF]

        wid = lax.axis_index("s") * NUM_CORES + lax.axis_index("c")
        base = wid * RPW
        pltpu.sync_copy(idx_hbm.at[wid], idx_v)

        def gather(cc, b):
            pltpu.async_copy(table_hbm.at[idx_v.at[cc]], bufs[b], gsem[b])

        def wait_gather(cc, b):
            pltpu.make_async_copy(
                table_hbm.at[idx_v.at[cc]], bufs[b], gsem[b]).wait()

        def write(cc, b):
            pltpu.async_copy(
                bufs[b], out_hbm.at[pl.ds(base + cc * W, W)], wsem[b])

        def wait_write(cc, b):
            pltpu.make_async_copy(
                bufs[b], out_hbm.at[pl.ds(base + cc * W, W)], wsem[b]).wait()

        for b in range(NBUF - 1):
            gather(b, b)

        @pl.loop(0, CPW, step=NBUF)
        def _(c):
            for b in range(NBUF):
                cc = c + b
                wait_gather(cc, b)
                write(cc, b)
                bp = (b - 1) % NBUF

                @pl.when(cc >= 1)
                def _():
                    wait_write(cc - 1, bp)

                @pl.when(cc - 1 + NBUF < CPW)
                def _():
                    gather(cc - 1 + NBUF, bp)

        wait_write(CPW - 1, (CPW - 1) % NBUF)

    return k(token_table, idx3)


def kernel(inputs, token_table, pos_table):
    idx3 = inputs.reshape(NW, CPW, W).astype(jnp.int32)
    tpad = jnp.pad(token_table, ((0, 0), (0, D)))
    gathered = _sc_gather(tpad, idx3)
    gathered = gathered.reshape(BATCH, SEQ, 2 * D)[:, :, :D]
    return gathered + pos_table[None, :, :]

# --- scband reference (transcript-rebuilt; emitter-appended) ---
"""Pipeline reference for scband-move-embedding-29403346108862 (READ-ONLY COPY).

The authoritative reference and input builder live on the scoring server;
editing this copy changes nothing except your own understanding.
"""

import jax, jax.numpy as jnp
import numpy as np

VOCAB_SIZE = 1000000
EMBED_DIM = 64
SEQ_LENGTH = 200
BATCH = 1024


def get_pos_encoding_matrix(max_len, d_emb):
    pos_enc = np.array([
        [pos / np.power(10000, 2 * (j // 2) / d_emb) for j in range(d_emb)]
        if pos != 0 else np.zeros(d_emb)
        for pos in range(max_len)
    ])
    pos_enc[1:, 0::2] = np.sin(pos_enc[1:, 0::2])
    pos_enc[1:, 1::2] = np.cos(pos_enc[1:, 1::2])
    return pos_enc.astype(np.float32)


def setup_inputs(seed: int = 0) -> dict:
    key = jax.random.key(seed)
    k1, k2 = jax.random.split(key)
    inputs = jax.random.randint(k1, (BATCH, SEQ_LENGTH), 0, VOCAB_SIZE, dtype=jnp.int64 if jax.config.jax_enable_x64 else jnp.int32)
    token_table = jax.random.normal(k2, (VOCAB_SIZE, EMBED_DIM), dtype=jnp.float32) * 0.02
    pos_table = jnp.asarray(get_pos_encoding_matrix(SEQ_LENGTH, EMBED_DIM))
    return {"inputs": inputs, "token_table": token_table, "pos_table": pos_table}


def reference(inputs, token_table, pos_table):
    # token embedding lookup: gather rows of the table
    token_embeddings = jnp.take(token_table, inputs, axis=0)  # [B, S, D]
    # positional embedding lookup over range(seq_length)
    positions = jnp.arange(SEQ_LENGTH)
    token_position_embeddings = jnp.take(pos_table, positions, axis=0)  # [S, D]
    # broadcast add over batch
    move_embedding = token_embeddings + token_position_embeddings[None, :, :]
    return move_embedding

if __name__ == "__main__":
    import jax
    _d = setup_inputs()
    print(jax.jit(kernel)(*tuple(_d.values())))

</pallas_src>

<mosaic_0001>
#map = affine_map<(d0, d1) -> (0, 0)>
#map1 = affine_map<(d0, d1) -> (0, 0, 0)>
module attributes {stable_mosaic.version = 14 : i64} {
  func.func @k(%arg0: i32, %arg1: i32, %arg2: memref<1000000x128xf32, #tpu.memory_space<hbm>>, %arg3: memref<32x50x128xi32, #tpu.memory_space<hbm>>, %arg4: memref<204800x128xf32, #tpu.memory_space<hbm>>, %arg5: memref<50x128xi32, #tpu.memory_space<vmem>>, %arg6: memref<128x128xf32, #tpu.memory_space<vmem>>, %arg7: memref<128x128xf32, #tpu.memory_space<vmem>>, %arg8: memref<128x128xf32, #tpu.memory_space<vmem>>, %arg9: memref<128x128xf32, #tpu.memory_space<vmem>>, %arg10: memref<128x128xf32, #tpu.memory_space<vmem>>, %arg11: memref<!tpu.dma_semaphore, #tpu.memory_space<semaphore_mem>>, %arg12: memref<!tpu.dma_semaphore, #tpu.memory_space<semaphore_mem>>, %arg13: memref<!tpu.dma_semaphore, #tpu.memory_space<semaphore_mem>>, %arg14: memref<!tpu.dma_semaphore, #tpu.memory_space<semaphore_mem>>, %arg15: memref<!tpu.dma_semaphore, #tpu.memory_space<semaphore_mem>>, %arg16: memref<!tpu.dma_semaphore, #tpu.memory_space<semaphore_mem>>, %arg17: memref<!tpu.dma_semaphore, #tpu.memory_space<semaphore_mem>>, %arg18: memref<!tpu.dma_semaphore, #tpu.memory_space<semaphore_mem>>, %arg19: memref<!tpu.dma_semaphore, #tpu.memory_space<semaphore_mem>>, %arg20: memref<!tpu.dma_semaphore, #tpu.memory_space<semaphore_mem>>) attributes {dimension_semantics = [#tpu.dimension_semantics<core_parallel>, #tpu.dimension_semantics<subcore_parallel>], iteration_bounds = array<i64: 2, 16>, scalar_prefetch = 0 : i64, scratch_operands = 16 : i64, tpu.core_type = #tpu.core_type<sc_vector_subcore>, window_params = [{transform_indices = #map}, {transform_indices = #map1}, {transform_indices = #map}]} {
    %mul3A = arith.constant 2 : i32
    %mul3A_0 = arith.muli %arg1, %mul3A : i32
    %add3A = arith.addi %mul3A_0, %arg0 : i32
    %mul3A_1 = arith.constant 6400 : i32
    %mul3A_2 = arith.muli %add3A, %mul3A_1 : i32
    "tpu.region"() ({
      %run_scoped3A = tpu.sem_alloc : memref<!tpu.dma_semaphore, #tpu.memory_space<semaphore_mem>>
      %dma_start3A_39 = arith.constant 0 : i32
      %dma_start3A_40 = arith.constant 0 : i32
      %dma_start3A_41 = tpu.memref_slice %arg3[%add3A, %dma_start3A_39, %dma_start3A_40] : memref<32x50x128xi32, #tpu.memory_space<hbm>> -> memref<1x50x128xi32, #tpu.memory_space<hbm>>
      %dma_start3A_42 = tpu.memref_squeeze %dma_start3A_41 : memref<1x50x128xi32, #tpu.memory_space<hbm>> -> memref<50x128xi32, #tpu.memory_space<hbm>>
      %dma_start3A_43 = arith.constant 0 : i32
      %dma_start3A_44 = arith.constant 0 : i32
      %dma_start3A_45 = tpu.memref_slice %arg3[%add3A, %dma_start3A_43, %dma_start3A_44] : memref<32x50x128xi32, #tpu.memory_space<hbm>> -> memref<1x50x128xi32, #tpu.memory_space<hbm>>
      %dma_start3A_46 = tpu.memref_squeeze %dma_start3A_45 : memref<1x50x128xi32, #tpu.memory_space<hbm>> -> memref<50x128xi32, #tpu.memory_space<hbm>>
      tpu.enqueue_dma source(%dma_start3A_46 : memref<50x128xi32, #tpu.memory_space<hbm>>) target(%arg5 : memref<50x128xi32, #tpu.memory_space<vmem>>) target_semaphore(%run_scoped3A : memref<!tpu.dma_semaphore, #tpu.memory_space<semaphore_mem>>)
      %dma_wait3A_47 = arith.constant 0 : i32
      %dma_wait3A_48 = arith.constant 0 : i32
      %dma_wait3A_49 = tpu.memref_slice %arg3[%add3A, %dma_wait3A_47, %dma_wait3A_48] : memref<32x50x128xi32, #tpu.memory_space<hbm>> -> memref<1x50x128xi32, #tpu.memory_space<hbm>>
      %dma_wait3A_50 = tpu.memref_squeeze %dma_wait3A_49 : memref<1x50x128xi32, #tpu.memory_space<hbm>> -> memref<50x128xi32, #tpu.memory_space<hbm>>
      %dma_wait3A_51 = arith.constant 0 : i32
      %dma_wait3A_52 = arith.constant 0 : i32
      %dma_wait3A_53 = tpu.memref_slice %arg3[%add3A, %dma_wait3A_51, %dma_wait3A_52] : memref<32x50x128xi32, #tpu.memory_space<hbm>> -> memref<1x50x128xi32, #tpu.memory_space<hbm>>
      %dma_wait3A_54 = tpu.memref_squeeze %dma_wait3A_53 : memref<1x50x128xi32, #tpu.memory_space<hbm>> -> memref<50x128xi32, #tpu.memory_space<hbm>>
      tpu.wait_dma2 semaphore(%run_scoped3A : memref<!tpu.dma_semaphore, #tpu.memory_space<semaphore_mem>>) src(%dma_wait3A_54 : memref<50x128xi32, #tpu.memory_space<hbm>>) dst(%arg5 : memref<50x128xi32, #tpu.memory_space<vmem>>)
      tpu.yield
    }) : () -> ()
    %dma_start3A = arith.constant 0 : i32
    %dma_start3A_3 = arith.constant 0 : i32
    %dma_start3A_4 = tpu.memref_slice %arg5[%dma_start3A, %dma_start3A_3] : memref<50x128xi32, #tpu.memory_space<vmem>> -> memref<1x128xi32, #tpu.memory_space<vmem>>
    %dma_start3A_5 = tpu.memref_squeeze %dma_start3A_4 : memref<1x128xi32, #tpu.memory_space<vmem>> -> memref<128xi32, #tpu.memory_space<vmem>>
    %dma_start3A_6 = arith.constant 0 : i32
    %dma_start3A_7 = arith.constant 0 : i32
    %dma_start3A_8 = tpu.memref_slice %arg2[%dma_start3A_6, %dma_start3A_7] : memref<1000000x128xf32, #tpu.memory_space<hbm>> -> memref<1000000x128xf32, #tpu.memory_space<hbm>>
    tpu.enqueue_indirect_dma source(%dma_start3A_8 : memref<1000000x128xf32, #tpu.memory_space<hbm>>) target(%arg6 : memref<128x128xf32, #tpu.memory_space<vmem>>) offsets(%dma_start3A_5 : memref<128xi32, #tpu.memory_space<vmem>>) semaphore(%arg11 : memref<!tpu.dma_semaphore, #tpu.memory_space<semaphore_mem>>)
    %dma_start3A_9 = arith.constant 1 : i32
    %dma_start3A_10 = arith.constant 0 : i32
    %dma_start3A_11 = tpu.memref_slice %arg5[%dma_start3A_9, %dma_start3A_10] : memref<50x128xi32, #tpu.memory_space<vmem>> -> memref<1x128xi32, #tpu.memory_space<vmem>>
    %dma_start3A_12 = tpu.memref_squeeze %dma_start3A_11 : memref<1x128xi32, #tpu.memory_space<vmem>> -> memref<128xi32, #tpu.memory_space<vmem>>
    %dma_start3A_13 = arith.constant 0 : i32
    %dma_start3A_14 = arith.constant 0 : i32
    %dma_start3A_15 = tpu.memref_slice %arg2[%dma_start3A_13, %dma_start3A_14] : memref<1000000x128xf32, #tpu.memory_space<hbm>> -> memref<1000000x128xf32, #tpu.memory_space<hbm>>
    tpu.enqueue_indirect_dma source(%dma_start3A_15 : memref<1000000x128xf32, #tpu.memory_space<hbm>>) target(%arg7 : memref<128x128xf32, #tpu.memory_space<vmem>>) offsets(%dma_start3A_12 : memref<128xi32, #tpu.memory_space<vmem>>) semaphore(%arg12 : memref<!tpu.dma_semaphore, #tpu.memory_space<semaphore_mem>>)
    %dma_start3A_16 = arith.constant 2 : i32
    %dma_start3A_17 = arith.constant 0 : i32
    %dma_start3A_18 = tpu.memref_slice %arg5[%dma_start3A_16, %dma_start3A_17] : memref<50x128xi32, #tpu.memory_space<vmem>> -> memref<1x128xi32, #tpu.memory_space<vmem>>
    %dma_start3A_19 = tpu.memref_squeeze %dma_start3A_18 : memref<1x128xi32, #tpu.memory_space<vmem>> -> memref<128xi32, #tpu.memory_space<vmem>>
    %dma_start3A_20 = arith.constant 0 : i32
    %dma_start3A_21 = arith.constant 0 : i32
    %dma_start3A_22 = tpu.memref_slice %arg2[%dma_start3A_20, %dma_start3A_21] : memref<1000000x128xf32, #tpu.memory_space<hbm>> -> memref<1000000x128xf32, #tpu.memory_space<hbm>>
    tpu.enqueue_indirect_dma source(%dma_start3A_22 : memref<1000000x128xf32, #tpu.memory_space<hbm>>) target(%arg8 : memref<128x128xf32, #tpu.memory_space<vmem>>) offsets(%dma_start3A_19 : memref<128xi32, #tpu.memory_space<vmem>>) semaphore(%arg13 : memref<!tpu.dma_semaphore, #tpu.memory_space<semaphore_mem>>)
    %dma_start3A_23 = arith.constant 3 : i32
    %dma_start3A_24 = arith.constant 0 : i32
    %dma_start3A_25 = tpu.memref_slice %arg5[%dma_start3A_23, %dma_start3A_24] : memref<50x128xi32, #tpu.memory_space<vmem>> -> memref<1x128xi32, #tpu.memory_space<vmem>>
    %dma_start3A_26 = tpu.memref_squeeze %dma_start3A_25 : memref<1x128xi32, #tpu.memory_space<vmem>> -> memref<128xi32, #tpu.memory_space<vmem>>
    %dma_start3A_27 = arith.constant 0 : i32
    %dma_start3A_28 = arith.constant 0 : i32
    %dma_start3A_29 = tpu.memref_slice %arg2[%dma_start3A_27, %dma_start3A_28] : memref<1000000x128xf32, #tpu.memory_space<hbm>> -> memref<1000000x128xf32, #tpu.memory_space<hbm>>
    tpu.enqueue_indirect_dma source(%dma_start3A_29 : memref<1000000x128xf32, #tpu.memory_space<hbm>>) target(%arg9 : memref<128x128xf32, #tpu.memory_space<vmem>>) offsets(%dma_start3A_26 : memref<128xi32, #tpu.memory_space<vmem>>) semaphore(%arg14 : memref<!tpu.dma_semaphore, #tpu.memory_space<semaphore_mem>>)
    %scan3A = arith.constant 0 : i32
    %scan3A_30 = arith.constant 10 : i32
    %scan3A_31 = arith.addi %scan3A, %scan3A_30 : i32
    %scan3A_32 = arith.constant 1 : i32
    scf.for %scan3A_39 = %scan3A to %scan3A_31 step %scan3A_32  : i32 {
      %mul3A_40 = arith.constant 5 : i32
      %mul3A_41 = arith.muli %scan3A_39, %mul3A_40 : i32
      %add3A_42 = arith.constant 0 : i32
      %add3A_43 = arith.addi %add3A_42, %mul3A_41 : i32
      %add3A_44 = arith.constant 0 : i32
      %add3A_45 = arith.addi %add3A_43, %add3A_44 : i32
      %dma_wait3A_46 = arith.constant 0 : i32
      %dma_wait3A_47 = tpu.memref_slice %arg5[%add3A_45, %dma_wait3A_46] : memref<50x128xi32, #tpu.memory_space<vmem>> -> memref<1x128xi32, #tpu.memory_space<vmem>>
      %dma_wait3A_48 = tpu.memref_squeeze %dma_wait3A_47 : memref<1x128xi32, #tpu.memory_space<vmem>> -> memref<128xi32, #tpu.memory_space<vmem>>
      %dma_wait3A_49 = arith.constant 0 : i32
      %dma_wait3A_50 = arith.constant 0 : i32
      %dma_wait3A_51 = tpu.memref_slice %arg2[%dma_wait3A_49, %dma_wait3A_50] : memref<1000000x128xf32, #tpu.memory_space<hbm>> -> memref<1000000x128xf32, #tpu.memory_space<hbm>>
      tpu.wait_indirect_dma semaphore(%arg11 : memref<!tpu.dma_semaphore, #tpu.memory_space<semaphore_mem>>) src(%dma_wait3A_51 : memref<1000000x128xf32, #tpu.memory_space<hbm>>) dst(%arg6 : memref<128x128xf32, #tpu.memory_space<vmem>>)
      %mul3A_52 = arith.constant 128 : i32
      %mul3A_53 = arith.muli %add3A_45, %mul3A_52 : i32
      %add3A_54 = arith.addi %mul3A_2, %mul3A_53 : i32
      %dma_start3A_55 = arith.constant 0 : i32
      %dma_start3A_56 = tpu.memref_slice %arg4[%add3A_54, %dma_start3A_55] : memref<204800x128xf32, #tpu.memory_space<hbm>> -> memref<128x128xf32, #tpu.memory_space<hbm>>
      %dma_start3A_57 = arith.constant 0 : i32
      %dma_start3A_58 = tpu.memref_slice %arg4[%add3A_54, %dma_start3A_57] : memref<204800x128xf32, #tpu.memory_space<hbm>> -> memref<128x128xf32, #tpu.memory_space<hbm>>
      tpu.enqueue_dma source(%arg6 : memref<128x128xf32, #tpu.memory_space<vmem>>) target(%dma_start3A_58 : memref<128x128xf32, #tpu.memory_space<hbm>>) target_semaphore(%arg16 : memref<!tpu.dma_semaphore, #tpu.memory_space<semaphore_mem>>)
      %ge3A = arith.constant 1 : i32
      %ge3A_59 = arith.cmpi sge, %add3A_45, %ge3A : i32
      %convert_element_type3A = arith.extui %ge3A_59 : i1 to i32
      %cond3A = arith.constant 0 : i32
      %cond3A_60 = arith.cmpi ne, %convert_element_type3A, %cond3A : i32
      scf.if %cond3A_60 {
        %sub3A_184 = arith.constant 1 : i32
        %sub3A_185 = arith.subi %add3A_45, %sub3A_184 : i32
        %mul3A_186 = arith.constant 128 : i32
        %mul3A_187 = arith.muli %sub3A_185, %mul3A_186 : i32
        %add3A_188 = arith.addi %mul3A_2, %mul3A_187 : i32
        %dma_wait3A_189 = arith.constant 0 : i32
        %dma_wait3A_190 = tpu.memref_slice %arg4[%add3A_188, %dma_wait3A_189] : memref<204800x128xf32, #tpu.memory_space<hbm>> -> memref<128x128xf32, #tpu.memory_space<hbm>>
        %dma_wait3A_191 = arith.constant 0 : i32
        %dma_wait3A_192 = tpu.memref_slice %arg4[%add3A_188, %dma_wait3A_191] : memref<204800x128xf32, #tpu.memory_space<hbm>> -> memref<128x128xf32, #tpu.memory_space<hbm>>
        tpu.wait_dma2 semaphore(%arg20 : memref<!tpu.dma_semaphore, #tpu.memory_space<semaphore_mem>>) src(%arg10 : memref<128x128xf32, #tpu.memory_space<vmem>>) dst(%dma_wait3A_192 : memref<128x128xf32, #tpu.memory_space<hbm>>)
      } else {
      }
      %sub3A = arith.constant 1 : i32
      %sub3A_61 = arith.subi %add3A_45, %sub3A : i32
      %add3A_62 = arith.constant 5 : i32
      %add3A_63 = arith.addi %sub3A_61, %add3A_62 : i32
      %lt3A = arith.constant 50 : i32
      %lt3A_64 = arith.cmpi slt, %add3A_63, %lt3A : i32
      %convert_element_type3A_65 = arith.extui %lt3A_64 : i1 to i32
      %cond3A_66 = arith.constant 0 : i32
      %cond3A_67 = arith.cmpi ne, %convert_element_type3A_65, %cond3A_66 : i32
      scf.if %cond3A_67 {
        %sub3A_184 = arith.constant 1 : i32
        %sub3A_185 = arith.subi %add3A_45, %sub3A_184 : i32
        %add3A_186 = arith.constant 5 : i32
        %add3A_187 = arith.addi %sub3A_185, %add3A_186 : i32
        %dma_start3A_188 = arith.constant 0 : i32
        %dma_start3A_189 = tpu.memref_slice %arg5[%add3A_187, %dma_start3A_188] : memref<50x128xi32, #tpu.memory_space<vmem>> -> memref<1x128xi32, #tpu.memory_space<vmem>>
        %dma_start3A_190 = tpu.memref_squeeze %dma_start3A_189 : memref<1x128xi32, #tpu.memory_space<vmem>> -> memref<128xi32, #tpu.memory_space<vmem>>
        %dma_start3A_191 = arith.constant 0 : i32
        %dma_start3A_192 = arith.constant 0 : i32
        %dma_start3A_193 = tpu.memref_slice %arg2[%dma_start3A_191, %dma_start3A_192] : memref<1000000x128xf32, #tpu.memory_space<hbm>> -> memref<1000000x128xf32, #tpu.memory_space<hbm>>
        tpu.enqueue_indirect_dma source(%dma_start3A_193 : memref<1000000x128xf32, #tpu.memory_space<hbm>>) target(%arg10 : memref<128x128xf32, #tpu.memory_space<vmem>>) offsets(%dma_start3A_190 : memref<128xi32, #tpu.memory_space<vmem>>) semaphore(%arg15 : memref<!tpu.dma_semaphore, #tpu.memory_space<semaphore_mem>>)
      } else {
      }
      %add3A_68 = arith.constant 1 : i32
      %add3A_69 = arith.addi %add3A_43, %add3A_68 : i32
      %dma_wait3A_70 = arith.constant 0 : i32
      %dma_wait3A_71 = tpu.memref_slice %arg5[%add3A_69, %dma_wait3A_70] : memref<50x128xi32, #tpu.memory_space<vmem>> -> memref<1x128xi32, #tpu.memory_space<vmem>>
      %dma_wait3A_72 = tpu.memref_squeeze %dma_wait3A_71 : memref<1x128xi32, #tpu.memory_space<vmem>> -> memref<128xi32, #tpu.memory_space<vmem>>
      %dma_wait3A_73 = arith.constant 0 : i32
      %dma_wait3A_74 = arith.constant 0 : i32
      %dma_wait3A_75 = tpu.memref_slice %arg2[%dma_wait3A_73, %dma_wait3A_74] : memref<1000000x128xf32, #tpu.memory_space<hbm>> -> memref<1000000x128xf32, #tpu.memory_space<hbm>>
      tpu.wait_indirect_dma semaphore(%arg12 : memref<!tpu.dma_semaphore, #tpu.memory_space<semaphore_mem>>) src(%dma_wait3A_75 : memref<1000000x128xf32, #tpu.memory_space<hbm>>) dst(%arg7 : memref<128x128xf32, #tpu.memory_space<vmem>>)
      %mul3A_76 = arith.constant 128 : i32
      %mul3A_77 = arith.muli %add3A_69, %mul3A_76 : i32
      %add3A_78 = arith.addi %mul3A_2, %mul3A_77 : i32
      %dma_start3A_79 = arith.constant 0 : i32
      %dma_start3A_80 = tpu.memref_slice %arg4[%add3A_78, %dma_start3A_79] : memref<204800x128xf32, #tpu.memory_space<hbm>> -> memref<128x128xf32, #tpu.memory_space<hbm>>
      %dma_start3A_81 = arith.constant 0 : i32
      %dma_start3A_82 = tpu.memref_slice %arg4[%add3A_78, %dma_start3A_81] : memref<204800x128xf32, #tpu.memory_space<hbm>> -> memref<128x128xf32, #tpu.memory_space<hbm>>
      tpu.enqueue_dma source(%arg7 : memref<128x128xf32, #tpu.memory_space<vmem>>) target(%dma_start3A_82 : memref<128x128xf32, #tpu.memory_space<hbm>>) target_semaphore(%arg17 : memref<!tpu.dma_semaphore, #tpu.memory_space<semaphore_mem>>)
      %ge3A_83 = arith.constant 1 : i32
      %ge3A_84 = arith.cmpi sge, %add3A_69, %ge3A_83 : i32
      %convert_element_type3A_85 = arith.extui %ge3A_84 : i1 to i32
      %cond3A_86 = arith.constant 0 : i32
      %cond3A_87 = arith.cmpi ne, %convert_element_type3A_85, %cond3A_86 : i32
      scf.if %cond3A_87 {
        %sub3A_184 = arith.constant 1 : i32
        %sub3A_185 = arith.subi %add3A_69, %sub3A_184 : i32
        %mul3A_186 = arith.constant 128 : i32
        %mul3A_187 = arith.muli %sub3A_185, %mul3A_186 : i32
        %add3A_188 = arith.addi %mul3A_2, %mul3A_187 : i32
        %dma_wait3A_189 = arith.constant 0 : i32
        %dma_wait3A_190 = tpu.memref_slice %arg4[%add3A_188, %dma_wait3A_189] : memref<204800x128xf32, #tpu.memory_space<hbm>> -> memref<128x128xf32, #tpu.memory_space<hbm>>
        %dma_wait3A_191 = arith.constant 0 : i32
        %dma_wait3A_192 = tpu.memref_slice %arg4[%add3A_188, %dma_wait3A_191] : memref<204800x128xf32, #tpu.memory_space<hbm>> -> memref<128x128xf32, #tpu.memory_space<hbm>>
        tpu.wait_dma2 semaphore(%arg16 : memref<!tpu.dma_semaphore, #tpu.memory_space<semaphore_mem>>) src(%arg6 : memref<128x128xf32, #tpu.memory_space<vmem>>) dst(%dma_wait3A_192 : memref<128x128xf32, #tpu.memory_space<hbm>>)
      } else {
      }
      %sub3A_88 = arith.constant 1 : i32
      %sub3A_89 = arith.subi %add3A_69, %sub3A_88 : i32
      %add3A_90 = arith.constant 5 : i32
      %add3A_91 = arith.addi %sub3A_89, %add3A_90 : i32
      %lt3A_92 = arith.constant 50 : i32
      %lt3A_93 = arith.cmpi slt, %add3A_91, %lt3A_92 : i32
      %convert_element_type3A_94 = arith.extui %lt3A_93 : i1 to i32
      %cond3A_95 = arith.constant 0 : i32
      %cond3A_96 = arith.cmpi ne, %convert_element_type3A_94, %cond3A_95 : i32
      scf.if %cond3A_96 {
        %sub3A_184 = arith.constant 1 : i32
        %sub3A_185 = arith.subi %add3A_69, %sub3A_184 : i32
        %add3A_186 = arith.constant 5 : i32
        %add3A_187 = arith.addi %sub3A_185, %add3A_186 : i32
        %dma_start3A_188 = arith.constant 0 : i32
        %dma_start3A_189 = tpu.memref_slice %arg5[%add3A_187, %dma_start3A_188] : memref<50x128xi32, #tpu.memory_space<vmem>> -> memref<1x128xi32, #tpu.memory_space<vmem>>
        %dma_start3A_190 = tpu.memref_squeeze %dma_start3A_189 : memref<1x128xi32, #tpu.memory_space<vmem>> -> memref<128xi32, #tpu.memory_space<vmem>>
        %dma_start3A_191 = arith.constant 0 : i32
        %dma_start3A_192 = arith.constant 0 : i32
        %dma_start3A_193 = tpu.memref_slice %arg2[%dma_start3A_191, %dma_start3A_192] : memref<1000000x128xf32, #tpu.memory_space<hbm>> -> memref<1000000x128xf32, #tpu.memory_space<hbm>>
        tpu.enqueue_indirect_dma source(%dma_start3A_193 : memref<1000000x128xf32, #tpu.memory_space<hbm>>) target(%arg6 : memref<128x128xf32, #tpu.memory_space<vmem>>) offsets(%dma_start3A_190 : memref<128xi32, #tpu.memory_space<vmem>>) semaphore(%arg11 : memref<!tpu.dma_semaphore, #tpu.memory_space<semaphore_mem>>)
      } else {
      }
      %add3A_97 = arith.constant 2 : i32
      %add3A_98 = arith.addi %add3A_43, %add3A_97 : i32
      %dma_wait3A_99 = arith.constant 0 : i32
      %dma_wait3A_100 = tpu.memref_slice %arg5[%add3A_98, %dma_wait3A_99] : memref<50x128xi32, #tpu.memory_space<vmem>> -> memref<1x128xi32, #tpu.memory_space<vmem>>
      %dma_wait3A_101 = tpu.memref_squeeze %dma_wait3A_100 : memref<1x128xi32, #tpu.memory_space<vmem>> -> memref<128xi32, #tpu.memory_space<vmem>>
      %dma_wait3A_102 = arith.constant 0 : i32
      %dma_wait3A_103 = arith.constant 0 : i32
      %dma_wait3A_104 = tpu.memref_slice %arg2[%dma_wait3A_102, %dma_wait3A_103] : memref<1000000x128xf32, #tpu.memory_space<hbm>> -> memref<1000000x128xf32, #tpu.memory_space<hbm>>
      tpu.wait_indirect_dma semaphore(%arg13 : memref<!tpu.dma_semaphore, #tpu.memory_space<semaphore_mem>>) src(%dma_wait3A_104 : memref<1000000x128xf32, #tpu.memory_space<hbm>>) dst(%arg8 : memref<128x128xf32, #tpu.memory_space<vmem>>)
      %mul3A_105 = arith.constant 128 : i32
      %mul3A_106 = arith.muli %add3A_98, %mul3A_105 : i32
      %add3A_107 = arith.addi %mul3A_2, %mul3A_106 : i32
      %dma_start3A_108 = arith.constant 0 : i32
      %dma_start3A_109 = tpu.memref_slice %arg4[%add3A_107, %dma_start3A_108] : memref<204800x128xf32, #tpu.memory_space<hbm>> -> memref<128x128xf32, #tpu.memory_space<hbm>>
      %dma_start3A_110 = arith.constant 0 : i32
      %dma_start3A_111 = tpu.memref_slice %arg4[%add3A_107, %dma_start3A_110] : memref<204800x128xf32, #tpu.memory_space<hbm>> -> memref<128x128xf32, #tpu.memory_space<hbm>>
      tpu.enqueue_dma source(%arg8 : memref<128x128xf32, #tpu.memory_space<vmem>>) target(%dma_start3A_111 : memref<128x128xf32, #tpu.memory_space<hbm>>) target_semaphore(%arg18 : memref<!tpu.dma_semaphore, #tpu.memory_space<semaphore_mem>>)
      %ge3A_112 = arith.constant 1 : i32
      %ge3A_113 = arith.cmpi sge, %add3A_98, %ge3A_112 : i32
      %convert_element_type3A_114 = arith.extui %ge3A_113 : i1 to i32
      %cond3A_115 = arith.constant 0 : i32
      %cond3A_116 = arith.cmpi ne, %convert_element_type3A_114, %cond3A_115 : i32
      scf.if %cond3A_116 {
        %sub3A_184 = arith.constant 1 : i32
        %sub3A_185 = arith.subi %add3A_98, %sub3A_184 : i32
        %mul3A_186 = arith.constant 128 : i32
        %mul3A_187 = arith.muli %sub3A_185, %mul3A_186 : i32
        %add3A_188 = arith.addi %mul3A_2, %mul3A_187 : i32
        %dma_wait3A_189 = arith.constant 0 : i32
        %dma_wait3A_190 = tpu.memref_slice %arg4[%add3A_188, %dma_wait3A_189] : memref<204800x128xf32, #tpu.memory_space<hbm>> -> memref<128x128xf32, #tpu.memory_space<hbm>>
        %dma_wait3A_191 = arith.constant 0 : i32
        %dma_wait3A_192 = tpu.memref_slice %arg4[%add3A_188, %dma_wait3A_191] : memref<204800x128xf32, #tpu.memory_space<hbm>> -> memref<128x128xf32, #tpu.memory_space<hbm>>
        tpu.wait_dma2 semaphore(%arg17 : memref<!tpu.dma_semaphore, #tpu.memory_space<semaphore_mem>>) src(%arg7 : memref<128x128xf32, #tpu.memory_space<vmem>>) dst(%dma_wait3A_192 : memref<128x128xf32, #tpu.memory_space<hbm>>)
      } else {
      }
      %sub3A_117 = arith.constant 1 : i32
      %sub3A_118 = arith.subi %add3A_98, %sub3A_117 : i32
      %add3A_119 = arith.constant 5 : i32
      %add3A_120 = arith.addi %sub3A_118, %add3A_119 : i32
      %lt3A_121 = arith.constant 50 : i32
      %lt3A_122 = arith.cmpi slt, %add3A_120, %lt3A_121 : i32
      %convert_element_type3A_123 = arith.extui %lt3A_122 : i1 to i32
      %cond3A_124 = arith.constant 0 : i32
      %cond3A_125 = arith.cmpi ne, %convert_element_type3A_123, %cond3A_124 : i32
      scf.if %cond3A_125 {
        %sub3A_184 = arith.constant 1 : i32
        %sub3A_185 = arith.subi %add3A_98, %sub3A_184 : i32
        %add3A_186 = arith.constant 5 : i32
        %add3A_187 = arith.addi %sub3A_185, %add3A_186 : i32
        %dma_start3A_188 = arith.constant 0 : i32
        %dma_start3A_189 = tpu.memref_slice %arg5[%add3A_187, %dma_start3A_188] : memref<50x128xi32, #tpu.memory_space<vmem>> -> memref<1x128xi32, #tpu.memory_space<vmem>>
        %dma_start3A_190 = tpu.memref_squeeze %dma_start3A_189 : memref<1x128xi32, #tpu.memory_space<vmem>> -> memref<128xi32, #tpu.memory_space<vmem>>
        %dma_start3A_191 = arith.constant 0 : i32
        %dma_start3A_192 = arith.constant 0 : i32
        %dma_start3A_193 = tpu.memref_slice %arg2[%dma_start3A_191, %dma_start3A_192] : memref<1000000x128xf32, #tpu.memory_space<hbm>> -> memref<1000000x128xf32, #tpu.memory_space<hbm>>
        tpu.enqueue_indirect_dma source(%dma_start3A_193 : memref<1000000x128xf32, #tpu.memory_space<hbm>>) target(%arg7 : memref<128x128xf32, #tpu.memory_space<vmem>>) offsets(%dma_start3A_190 : memref<128xi32, #tpu.memory_space<vmem>>) semaphore(%arg12 : memref<!tpu.dma_semaphore, #tpu.memory_space<semaphore_mem>>)
      } else {
      }
      %add3A_126 = arith.constant 3 : i32
      %add3A_127 = arith.addi %add3A_43, %add3A_126 : i32
      %dma_wait3A_128 = arith.constant 0 : i32
      %dma_wait3A_129 = tpu.memref_slice %arg5[%add3A_127, %dma_wait3A_128] : memref<50x128xi32, #tpu.memory_space<vmem>> -> memref<1x128xi32, #tpu.memory_space<vmem>>
      %dma_wait3A_130 = tpu.memref_squeeze %dma_wait3A_129 : memref<1x128xi32, #tpu.memory_space<vmem>> -> memref<128xi32, #tpu.memory_space<vmem>>
      %dma_wait3A_131 = arith.constant 0 : i32
      %dma_wait3A_132 = arith.constant 0 : i32
      %dma_wait3A_133 = tpu.memref_slice %arg2[%dma_wait3A_131, %dma_wait3A_132] : memref<1000000x128xf32, #tpu.memory_space<hbm>> -> memref<1000000x128xf32, #tpu.memory_space<hbm>>
      tpu.wait_indirect_dma semaphore(%arg14 : memref<!tpu.dma_semaphore, #tpu.memory_space<semaphore_mem>>) src(%dma_wait3A_133 : memref<1000000x128xf32, #tpu.memory_space<hbm>>) dst(%arg9 : memref<128x128xf32, #tpu.memory_space<vmem>>)
      %mul3A_134 = arith.constant 128 : i32
      %mul3A_135 = arith.muli %add3A_127, %mul3A_134 : i32
      %add3A_136 = arith.addi %mul3A_2, %mul3A_135 : i32
      %dma_start3A_137 = arith.constant 0 : i32
      %dma_start3A_138 = tpu.memref_slice %arg4[%add3A_136, %dma_start3A_137] : memref<204800x128xf32, #tpu.memory_space<hbm>> -> memref<128x128xf32, #tpu.memory_space<hbm>>
      %dma_start3A_139 = arith.constant 0 : i32
      %dma_start3A_140 = tpu.memref_slice %arg4[%add3A_136, %dma_start3A_139] : memref<204800x128xf32, #tpu.memory_space<hbm>> -> memref<128x128xf32, #tpu.memory_space<hbm>>
      tpu.enqueue_dma source(%arg9 : memref<128x128xf32, #tpu.memory_space<vmem>>) target(%dma_start3A_140 : memref<128x128xf32, #tpu.memory_space<hbm>>) target_semaphore(%arg19 : memref<!tpu.dma_semaphore, #tpu.memory_space<semaphore_mem>>)
      %ge3A_141 = arith.constant 1 : i32
      %ge3A_142 = arith.cmpi sge, %add3A_127, %ge3A_141 : i32
      %convert_element_type3A_143 = arith.extui %ge3A_142 : i1 to i32
      %cond3A_144 = arith.constant 0 : i32
      %cond3A_145 = arith.cmpi ne, %convert_element_type3A_143, %cond3A_144 : i32
      scf.if %cond3A_145 {
        %sub3A_184 = arith.constant 1 : i32
        %sub3A_185 = arith.subi %add3A_127, %sub3A_184 : i32
        %mul3A_186 = arith.constant 128 : i32
        %mul3A_187 = arith.muli %sub3A_185, %mul3A_186 : i32
        %add3A_188 = arith.addi %mul3A_2, %mul3A_187 : i32
        %dma_wait3A_189 = arith.constant 0 : i32
        %dma_wait3A_190 = tpu.memref_slice %arg4[%add3A_188, %dma_wait3A_189] : memref<204800x128xf32, #tpu.memory_space<hbm>> -> memref<128x128xf32, #tpu.memory_space<hbm>>
        %dma_wait3A_191 = arith.constant 0 : i32
        %dma_wait3A_192 = tpu.memref_slice %arg4[%add3A_188, %dma_wait3A_191] : memref<204800x128xf32, #tpu.memory_space<hbm>> -> memref<128x128xf32, #tpu.memory_space<hbm>>
        tpu.wait_dma2 semaphore(%arg18 : memref<!tpu.dma_semaphore, #tpu.memory_space<semaphore_mem>>) src(%arg8 : memref<128x128xf32, #tpu.memory_space<vmem>>) dst(%dma_wait3A_192 : memref<128x128xf32, #tpu.memory_space<hbm>>)
      } else {
      }
      %sub3A_146 = arith.constant 1 : i32
      %sub3A_147 = arith.subi %add3A_127, %sub3A_146 : i32
      %add3A_148 = arith.constant 5 : i32
      %add3A_149 = arith.addi %sub3A_147, %add3A_148 : i32
      %lt3A_150 = arith.constant 50 : i32
      %lt3A_151 = arith.cmpi slt, %add3A_149, %lt3A_150 : i32
      %convert_element_type3A_152 = arith.extui %lt3A_151 : i1 to i32
      %cond3A_153 = arith.constant 0 : i32
      %cond3A_154 = arith.cmpi ne, %convert_element_type3A_152, %cond3A_153 : i32
      scf.if %cond3A_154 {
        %sub3A_184 = arith.constant 1 : i32
        %sub3A_185 = arith.subi %add3A_127, %sub3A_184 : i32
        %add3A_186 = arith.constant 5 : i32
        %add3A_187 = arith.addi %sub3A_185, %add3A_186 : i32
        %dma_start3A_188 = arith.constant 0 : i32
        %dma_start3A_189 = tpu.memref_slice %arg5[%add3A_187, %dma_start3A_188] : memref<50x128xi32, #tpu.memory_space<vmem>> -> memref<1x128xi32, #tpu.memory_space<vmem>>
        %dma_start3A_190 = tpu.memref_squeeze %dma_start3A_189 : memref<1x128xi32, #tpu.memory_space<vmem>> -> memref<128xi32, #tpu.memory_space<vmem>>
        %dma_start3A_191 = arith.constant 0 : i32
        %dma_start3A_192 = arith.constant 0 : i32
        %dma_start3A_193 = tpu.memref_slice %arg2[%dma_start3A_191, %dma_start3A_192] : memref<1000000x128xf32, #tpu.memory_space<hbm>> -> memref<1000000x128xf32, #tpu.memory_space<hbm>>
        tpu.enqueue_indirect_dma source(%dma_start3A_193 : memref<1000000x128xf32, #tpu.memory_space<hbm>>) target(%arg8 : memref<128x128xf32, #tpu.memory_space<vmem>>) offsets(%dma_start3A_190 : memref<128xi32, #tpu.memory_space<vmem>>) semaphore(%arg13 : memref<!tpu.dma_semaphore, #tpu.memory_space<semaphore_mem>>)
      } else {
      }
      %add3A_155 = arith.constant 4 : i32
      %add3A_156 = arith.addi %add3A_43, %add3A_155 : i32
      %dma_wait3A_157 = arith.constant 0 : i32
      %dma_wait3A_158 = tpu.memref_slice %arg5[%add3A_156, %dma_wait3A_157] : memref<50x128xi32, #tpu.memory_space<vmem>> -> memref<1x128xi32, #tpu.memory_space<vmem>>
      %dma_wait3A_159 = tpu.memref_squeeze %dma_wait3A_158 : memref<1x128xi32, #tpu.memory_space<vmem>> -> memref<128xi32, #tpu.memory_space<vmem>>
      %dma_wait3A_160 = arith.constant 0 : i32
      %dma_wait3A_161 = arith.constant 0 : i32
      %dma_wait3A_162 = tpu.memref_slice %arg2[%dma_wait3A_160, %dma_wait3A_161] : memref<1000000x128xf32, #tpu.memory_space<hbm>> -> memref<1000000x128xf32, #tpu.memory_space<hbm>>
      tpu.wait_indirect_dma semaphore(%arg15 : memref<!tpu.dma_semaphore, #tpu.memory_space<semaphore_mem>>) src(%dma_wait3A_162 : memref<1000000x128xf32, #tpu.memory_space<hbm>>) dst(%arg10 : memref<128x128xf32, #tpu.memory_space<vmem>>)
      %mul3A_163 = arith.constant 128 : i32
      %mul3A_164 = arith.muli %add3A_156, %mul3A_163 : i32
      %add3A_165 = arith.addi %mul3A_2, %mul3A_164 : i32
      %dma_start3A_166 = arith.constant 0 : i32
      %dma_start3A_167 = tpu.memref_slice %arg4[%add3A_165, %dma_start3A_166] : memref<204800x128xf32, #tpu.memory_space<hbm>> -> memref<128x128xf32, #tpu.memory_space<hbm>>
      %dma_start3A_168 = arith.constant 0 : i32
      %dma_start3A_169 = tpu.memref_slice %arg4[%add3A_165, %dma_start3A_168] : memref<204800x128xf32, #tpu.memory_space<hbm>> -> memref<128x128xf32, #tpu.memory_space<hbm>>
      tpu.enqueue_dma source(%arg10 : memref<128x128xf32, #tpu.memory_space<vmem>>) target(%dma_start3A_169 : memref<128x128xf32, #tpu.memory_space<hbm>>) target_semaphore(%arg20 : memref<!tpu.dma_semaphore, #tpu.memory_space<semaphore_mem>>)
      %ge3A_170 = arith.constant 1 : i32
      %ge3A_171 = arith.cmpi sge, %add3A_156, %ge3A_170 : i32
      %convert_element_type3A_172 = arith.extui %ge3A_171 : i1 to i32
      %cond3A_173 = arith.constant 0 : i32
      %cond3A_174 = arith.cmpi ne, %convert_element_type3A_172, %cond3A_173 : i32
      scf.if %cond3A_174 {
        %sub3A_184 = arith.constant 1 : i32
        %sub3A_185 = arith.subi %add3A_156, %sub3A_184 : i32
        %mul3A_186 = arith.constant 128 : i32
        %mul3A_187 = arith.muli %sub3A_185, %mul3A_186 : i32
        %add3A_188 = arith.addi %mul3A_2, %mul3A_187 : i32
        %dma_wait3A_189 = arith.constant 0 : i32
        %dma_wait3A_190 = tpu.memref_slice %arg4[%add3A_188, %dma_wait3A_189] : memref<204800x128xf32, #tpu.memory_space<hbm>> -> memref<128x128xf32, #tpu.memory_space<hbm>>
        %dma_wait3A_191 = arith.constant 0 : i32
        %dma_wait3A_192 = tpu.memref_slice %arg4[%add3A_188, %dma_wait3A_191] : memref<204800x128xf32, #tpu.memory_space<hbm>> -> memref<128x128xf32, #tpu.memory_space<hbm>>
        tpu.wait_dma2 semaphore(%arg19 : memref<!tpu.dma_semaphore, #tpu.memory_space<semaphore_mem>>) src(%arg9 : memref<128x128xf32, #tpu.memory_space<vmem>>) dst(%dma_wait3A_192 : memref<128x128xf32, #tpu.memory_space<hbm>>)
      } else {
      }
      %sub3A_175 = arith.constant 1 : i32
      %sub3A_176 = arith.subi %add3A_156, %sub3A_175 : i32
      %add3A_177 = arith.constant 5 : i32
      %add3A_178 = arith.addi %sub3A_176, %add3A_177 : i32
      %lt3A_179 = arith.constant 50 : i32
      %lt3A_180 = arith.cmpi slt, %add3A_178, %lt3A_179 : i32
      %convert_element_type3A_181 = arith.extui %lt3A_180 : i1 to i32
      %cond3A_182 = arith.constant 0 : i32
      %cond3A_183 = arith.cmpi ne, %convert_element_type3A_181, %cond3A_182 : i32
      scf.if %cond3A_183 {
        %sub3A_184 = arith.constant 1 : i32
        %sub3A_185 = arith.subi %add3A_156, %sub3A_184 : i32
        %add3A_186 = arith.constant 5 : i32
        %add3A_187 = arith.addi %sub3A_185, %add3A_186 : i32
        %dma_start3A_188 = arith.constant 0 : i32
        %dma_start3A_189 = tpu.memref_slice %arg5[%add3A_187, %dma_start3A_188] : memref<50x128xi32, #tpu.memory_space<vmem>> -> memref<1x128xi32, #tpu.memory_space<vmem>>
        %dma_start3A_190 = tpu.memref_squeeze %dma_start3A_189 : memref<1x128xi32, #tpu.memory_space<vmem>> -> memref<128xi32, #tpu.memory_space<vmem>>
        %dma_start3A_191 = arith.constant 0 : i32
        %dma_start3A_192 = arith.constant 0 : i32
        %dma_start3A_193 = tpu.memref_slice %arg2[%dma_start3A_191, %dma_start3A_192] : memref<1000000x128xf32, #tpu.memory_space<hbm>> -> memref<1000000x128xf32, #tpu.memory_space<hbm>>
        tpu.enqueue_indirect_dma source(%dma_start3A_193 : memref<1000000x128xf32, #tpu.memory_space<hbm>>) target(%arg9 : memref<128x128xf32, #tpu.memory_space<vmem>>) offsets(%dma_start3A_190 : memref<128xi32, #tpu.memory_space<vmem>>) semaphore(%arg14 : memref<!tpu.dma_semaphore, #tpu.memory_space<semaphore_mem>>)
      } else {
      }
    }
    %scan3A_33 = arith.constant 10 : i32
    %add3A_34 = arith.constant 6272 : i32
    %add3A_35 = arith.addi %mul3A_2, %add3A_34 : i32
    %dma_wait3A = arith.constant 0 : i32
    %dma_wait3A_36 = tpu.memref_slice %arg4[%add3A_35, %dma_wait3A] : memref<204800x128xf32, #tpu.memory_space<hbm>> -> memref<128x128xf32, #tpu.memory_space<hbm>>
    %dma_wait3A_37 = arith.constant 0 : i32
    %dma_wait3A_38 = tpu.memref_slice %arg4[%add3A_35, %dma_wait3A_37] : memref<204800x128xf32, #tpu.memory_space<hbm>> -> memref<128x128xf32, #tpu.memory_space<hbm>>
    tpu.wait_dma2 semaphore(%arg20 : memref<!tpu.dma_semaphore, #tpu.memory_space<semaphore_mem>>) src(%arg10 : memref<128x128xf32, #tpu.memory_space<vmem>>) dst(%dma_wait3A_38 : memref<128x128xf32, #tpu.memory_space<hbm>>)
    return
  }
}

</mosaic_0001>

<sc_bundles>
// kernel: kernel.3.cloned.1.call-start
scs
__scs_entry_jumppad:
0x0: {  	(pc) =	sbr.rel $0x88, $3  }
0x1: {  	(tag) =	ssettag $0x0;
	lr =	simm.s32 $0x1  }
0x2: {  	[smem:$0x3F9E] =	sst lr;
	_ =	strace $0xD0000000  }
0x3: {  	_ = 	snop  }
0x4: {  	_ = 	snop  }
0x5: {  	_ = 	snop  }
0x6: {  	_ = 	snop  }
0x7: {  	_ = 	snop  }
__scs_overlays_trampoline_lowered:
0x8: {  	[smem:$0x3FAD] =	sst s0  }
0x9: {  	[smem:$0x3FAE] =	sst s1  }
0xa: {  	[smem:$0x3FAF] =	sst s2  }
0xb: {  	[smem:$0x3FB0] =	sst s3  }
0xc: {  	[smem:$0x3FB1] =	sst s4  }
0xd: {  	[smem:$0x3FB2] =	sst s5  }
0xe: {  	[smem:$0x3FB3] =	sst s6  }
0xf: {  	[smem:$0x3FB4] =	sst s7  }
0x10: {  	[smem:$0x3FB5] =	sst s8  }
0x11: {  	[smem:$0x3FB6] =	sst s9;
	s0 =	simm.s32 @!p0 $0x0  }
0x12: {  	s1 =	sld [smem:$0x3F9C];
	s0 =	simm.s32 @p0 $0x1  }
0x13: {  	[smem:$0x3FB7] =	sst s0;
	s0 =	simm.s32 @!p1 $0x0  }
0x14: {  	s2 =	sld [smem:$0x3F9B];
	s0 =	simm.s32 @p1 $0x1  }
0x15: {  	[smem:$0x3FB8] =	sst s0;
	s0 =	simm.s32 @!p2 $0x0  }
0x16: {  	s3 =	sld [smem:$0x3FDB];
	s0 =	simm.s32 @p2 $0x1  }
0x17: {  	s4 =	simm.s32 $0x1BF5;
	[smem:$0x3FBA] =	sst s0  }
0x18: {  	s0 =	sld [smem:$0x3F9D];
	_ =	swait.ge [sflag:s4], $0x0  }
0x19: {  	s7 =	sld [smem:$0x3F9E]  }
0x1a: {  	s8 =	sadd.s32 $0xFFFFE003, lr  }
0x1b: {  	s9 =	sadd.s32 $0xFFFFFEF7, lr;
	s5 =	simm.s32 $0xFFFFFFFF;
	p2 =	slt.u32 s8, $0xFFFFF086  }
0x1c: {  	p1 =	slt.u32 s9, $0xF7A;
	s5 =	simm.s32 @!p2 $0x0  }
0x1d: {  	s5 =	simm.s32 @p1 $0x1;
	p0 =	seq.s32 s7, s2  }
0x1e: {  	s7 =	smul.u32 @!p0 $0xF7A, s2;
	p2 =	seq.s32 @!p0 s5, $0x0  }
0x1f: {  	s9 =	smul.u32 $0xF7A, s1;
	s8 =	simm.s32 @!p0 $0x1BF5;
	p2 =	por !p2, p0  }
0x20: {  	[sflag:s8] =	ssyncset.s32 @!p0 $0xFFFFF086;
	s6 =	sadd.s32 @!p0 s3, s7;
	s7 =	simm.s32 @!p0 $0x108  }
0x21: {  	s3 =	sadd.s32 s3, s9;
	s6 =	sadd.s32 @!p0 $0x88, s6;
	s7 =	simm.s32 @p2 $0x1082  }
0x22: {  	[simem:s7], [sflag:s8] =	dma.local @!p0 [hbm:s6], $0xF7A  }
0x23: {  	s9 =	sor.u32 $0xD0000000, s2;
	s6 =	simm.s32 $0x108;
	_ =	swait.ge @!p0 [sflag:s8], $0x0  }
0x24: {  	s3 =	sadd.s32 $0x88, s3;
	s6 =	simm.s32 @!p1 $0x1082;
	[sflag:s4] =	ssyncset.s32 $0xFFFFF086  }
0x25: {  	[simem:s6], [sflag:s4] =	dma.local [hbm:s3], $0xF7A  }
0x26: {  	[smem:$0x3F9E] =	sst s1;
	(tag) =	ssettag s2;
	_ =	strace s9  }
0x27: {  	s1 =	sld [smem:$0x3FAE]  }
0x28: {  	s2 =	sld [smem:$0x3FAF]  }
0x29: {  	s4 =	sld [smem:$0x3FB1]  }
0x2a: {  	p0 =	seq.s32 s5, $0x0;
	s5 =	sld [smem:$0x3FB2]  }
0x2b: {  	s6 =	sld [smem:$0x3FB3]  }
0x2c: {  	s7 =	sld [smem:$0x3FB4]  }
0x2d: {  	s3 =	simm.s32 $0x108;
	s8 =	sld [smem:$0x3FB5]  }
0x2e: {  	s3 =	simm.s32 @!p0 $0x1082;
	s9 =	sld [smem:$0x3FB6]  }
0x2f: {  	lr =	sadd.s32 s0, s3;
	s0 =	sld [smem:$0x3FAD]  }
0x30: {  	s3 =	sld [smem:$0x3FB0]  }
0x31: {  	[smem:$0x3FB9] =	sst s10  }
0x32: {  	s10 =	sld [smem:$0x3FB7];
	_ =	sdelay $0x3  }
0x33: {  	p0 =	seq.s32 s10, $0x1;
	s10 =	sld [smem:$0x3FB9];
	_ =	sdelay $0x3  }
0x34: {  	[smem:$0x3FB9] =	sst s10  }
0x35: {  	s10 =	sld [smem:$0x3FB8];
	_ =	sdelay $0x3  }
0x36: {  	p1 =	seq.s32 s10, $0x1;
	s10 =	sld [smem:$0x3FB9];
	_ =	sdelay $0x3  }
0x37: {  	[smem:$0x3FB9] =	sst s10  }
0x38: {  	s10 =	sld [smem:$0x3FBA]  }
0x39: {  	_ = 	snop;
	(pc) =	sbr.ind lr, $3  }
0x3a: {  	_ = 	snop  }
0x3b: {  	_ = 	snop  }
0x3c: {  	p2 =	seq.s32 s10, $0x1;
	s10 =	sld [smem:$0x3FB9]  }
0x3d: {  	_ =	shalt  }
0x3e: {  	_ =	shalt  }
0x3f: {  	_ =	shalt  }
0x40: {  	_ =	shalt  }
0x41: {  	_ =	shalt  }
0x42: {  	_ =	shalt  }
0x43: {  	_ =	shalt  }
0x44: {  	_ =	shalt  }
0x45: {  	_ =	shalt  }
0x46: {  	_ =	shalt  }
0x47: {  	_ =	shalt  }
0x48: {  	_ =	shalt  }
0x49: {  	_ =	shalt  }
0x4a: {  	_ =	shalt  }
0x4b: {  	_ =	shalt  }
0x4c: {  	_ =	shalt  }
0x4d: {  	_ =	shalt  }
0x4e: {  	_ =	shalt  }
0x4f: {  	_ =	shalt  }
0x50: {  	_ =	shalt  }
0x51: {  	_ =	shalt  }
0x52: {  	_ =	shalt  }
0x53: {  	_ =	shalt  }
0x54: {  	_ =	shalt  }
0x55: {  	_ =	shalt  }
0x56: {  	_ =	shalt  }
0x57: {  	_ =	shalt  }
0x58: {  	_ =	shalt  }
0x59: {  	_ =	shalt  }
0x5a: {  	_ =	shalt  }
0x5b: {  	_ =	shalt  }
0x5c: {  	_ =	shalt  }
0x5d: {  	_ =	shalt  }
0x5e: {  	_ =	shalt  }
0x5f: {  	_ =	shalt  }
0x60: {  	_ =	shalt  }
0x61: {  	_ =	shalt  }
0x62: {  	_ =	shalt  }
0x63: {  	_ =	shalt  }
0x64: {  	_ =	shalt  }
0x65: {  	_ =	shalt  }
0x66: {  	_ =	shalt  }
0x67: {  	_ =	shalt  }
0x68: {  	_ =	shalt  }
0x69: {  	_ =	shalt  }
0x6a: {  	_ =	shalt  }
0x6b: {  	_ =	shalt  }
0x6c: {  	_ =	shalt  }
0x6d: {  	_ =	shalt  }
0x6e: {  	_ =	shalt  }
0x6f: {  	_ =	shalt  }
0x70: {  	_ =	shalt  }
0x71: {  	_ =	shalt  }
0x72: {  	_ =	shalt  }
0x73: {  	_ =	shalt  }
0x74: {  	_ =	shalt  }
0x75: {  	_ =	shalt  }
0x76: {  	_ =	shalt  }
0x77: {  	_ =	shalt  }
0x78: {  	_ =	shalt  }
0x79: {  	_ =	shalt  }
0x7a: {  	_ =	shalt  }
0x7b: {  	_ =	shalt  }
0x7c: {  	_ =	shalt  }
0x7d: {  	_ =	shalt  }
0x7e: {  	_ =	shalt  }
0x7f: {  	_ =	shalt  }
0x80: {  	_ =	shalt  }
0x81: {  	_ =	shalt  }
0x82: {  	_ =	shalt  }
0x83: {  	_ =	shalt  }
0x84: {  	_ =	shalt  }
0x85: {  	_ =	shalt  }
0x86: {  	_ =	shalt  }
0x87: {  	_ =	shalt  }
.Lfunc_end0:
.L_simem_size_0:
called_computation.1_lowered:
.L_overlay_start_0:
0x88: {  	s2 =	sld [smem:$0x3FD9]  }
0x89: {  	s3 =	sld [smem:$0x3FFE];
	_ =	sdelay $0x1  }
0x8a: {  	s1 =	srdreg.scid  }
0x8b: {  	s0 =	sand.u32 $0x1, s1  }
0x8c: {  	s17 =	sshll.u32 s0, $0xA;
	s2 =	sadd.s32 s3, s2  }
0x8d: {  	s2 =	sadd.s32 s2, s17  }
0x8e: {  	[smem:$0x3FC5] =	sst s2  }
0x8f: {  	_ = 	snop  }
0x90: {  	s2 =	sld [smem:$0x3FD0];
	(tm) =	ssettm $0x1  }
0x91: {  	s18 =	sld [smem:$0x3FFB];
	_ =	sdelay $0x3  }
0x92: {  	_ =	strace s18  }
0x93: {  	s3 =	sld [smem:$0x3FFC];
	_ =	sdelay $0x3  }
0x94: {  	_ =	strace s3  }
0x95: {  	s3 =	sld [smem:$0x3FFD];
	_ =	sdelay $0x3  }
0x96: {  	_ =	strace s3  }
0x97: {  	_ =	strace $0x8FFFFFFF  }
0x98: {  	s19 =	sld [smem:$0x3FDB];
	_ =	sdelay $0x1  }
0x99: {  	s4 =	simm.s32 $_scs_section_size  }
0x9a: {  	s5 =	simm.s32 $_size__tile_overlayer_lowered;
	s6 =	simm.s32 $_tile_overlayer_lowered  }
0x9b: {  	s22 =	simm.s32 $0x1BFF;
	s21 =	sshll.u32 s6, $0x1;
	s3 =	sadd.s32 s4, s19  }
0x9c: {  	s7 =	simm.s32 $0x0;
	s20 =	sshll.u32 s5, $0x1;
	s5 =	sadd.s32 s21, s3  }
0x9d: {  	[timem:s7], [sflag:s22] =	dma.local [hbm:s5], s20  }
0x9e: {  	_ =	swait.ge [sflag:s22], s20  }
0x9f: {  	s4 =	ssub.s32 $0x0, s20;
	[sflag:s22] =	ssyncset.done $0x0  }
0xa0: {  	[sflag:s22] =	ssyncadd.s32 s4;
	_ =	sdelay $0x1  }
0xa1: {  	s23 =	simm.s32 $0x1B8B  }
0xa2: {  	_ =	swait.ge [sflag:s23], $0x1  }
0xa3: {  	[sflag:s23] =	ssyncset.done $0x0  }
0xa4: {  	s25 =	simm.s32 $0x1B8E;
	s24 =	sld [smem:$0x3FFE];
	[sflag:s23] =	ssyncadd.s32 $0xFFFFFFFF  }
0xa5: {  	s26 =	simm.s32 $execute0_lowered;
	[smem:$0x3FD2] =	sst s25  }
0xa6: {  	s5 =	sshll.u32 s26, $0x1;
	_ =	strace $0x80000046;
	[dreg:$0x1] =	wrdreg $0xFFFFFFFF  }
0xa7: {  	s28 =	simm.s32 $_size_execute0_lowered;
	s3 =	sadd.s32 s3, s5;
	[dreg:$0x0] =	wrdreg $0x0  }
0xa8: {  	s5 =	sshll.u32 s28, $0x1;
	[dreg:$0x2] =	wrdreg s3  }
0xa9: {  	[dreg:$0x3] =	wrdreg s5  }
0xaa: {  	[dreg:$0x4] =	wrdreg $0xC0  }
0xab: {  	_ =	task [dreg:s7], $0x5FFFF  }
0xac: {  	[dreg:$0x1] =	wrdreg $0xFFFFFFFF  }
0xad: {  	[dreg:$0x0] =	wrdreg $0x60  }
0xae: {  	[dreg:$0x2] =	wrdreg s24  }
0xaf: {  	[dreg:$0x3] =	wrdreg s2  }
0xb0: {  	[dreg:$0x4] =	wrdreg $0x9  }
0xb1: {  	_ =	task.clear_ibuf [dreg:s7], $0x5FFFF;
	_ =	strace $0x90000046  }
0xb2: {  	s29 =	simm.s32 $0x9;
	_ =	strace $0x80000048  }
0xb3: {  	_ =	swait.ge [sflag:s29], $0x1  }
0xb4: {  	[sflag:s29] =	ssyncadd.s32 $0xFFFFFFFF  }
0xb5: {  	_ =	strace $0x90000048  }
0xb6: {  	_ =	sfence  }
0xb7: {  	s30 =	sld [smem:$0x0];
	_ =	sdelay $0x2  }
0xb8: {  	s31 =	sshll.u32 s1, $0xD;
	s1 =	sshrl.u32 s1, $0x2  }
0xb9: {  	s3 =	sand.u32 $0x4000, s31;
	s1 =	sadd.s32 s1, s30  }
0xba: {  	s0 =	sor.u32 s3, s0;
	s1 =	sshll.u32 s1, $0x11  }
0xbb: {  	s0 =	sor.u32 s1, s0  }
0xbc: {  	s0 =	sadd.s32 $0x8F2B, s0  }
0xbd: {  	[sflag:s0] =	ssyncadd.remote.s32 $0x1  }
0xbe: {  	_ =	sfence.sel $0xFFFF  }
0xbf: {  	[dreg:$0x0] =	wrdreg $0xFFFFFFFF;
	(pc) =	sbr.abs _section_cstart, $3  }
0xc0: {  	[dreg:$0x1] =	wrdreg $0xFFFFFFFF  }
0xc1: {  	_ =	task.clear_ibuf [dreg:s7], $0x2FFFF;
	_ =	strace $0x9FFFFFFF  }
0xc2: {  	(tm) =	ssettm $0x7FFFFFFF  }
0xc3: {  	_ =	shalt  }
tec
execute0_lowered:
.L_overlay_start_1:
0x0: {  	(tag) =	ssettag $0x1  }
0x1: {  	s0 =	rddreg [dreg:$0x0]  }
0x2: {  	s1 =	rddreg [dreg:$0x1];
	s2 =	simm.s32 $0x0  }
0x3: {  	s3 =	srdreg.scid;
	s10 =	stileid.u32;
	s11 =	simm.s32 $0xB  }
0x4: {  	s12 =	simm.s32 $0x80;
	s13 =	simm.s32 $0x1C00;
	s14 =	simm.s32 $0x5C00  }
0x5: {  	s16 =	simm.s32 $0x9C00;
	s28 =	simm.s32 $0x5;
	s29 =	simm.s32 $0x9  }
0x6: {  	s30 =	simm.s32 $0xA;
	s31 =	simm.s32 $0x0;
	[smem:$0x7FF] =	sst s2  }
0x7: {  	s4 =	sand.u32 $0x1, s3;
	s17 =	sshll.u32 s10, $0x1;
	s5 =	smul.u32 $0x190000, s10  }
0x8: {  	s3 =	sadd.s32 $0xF43000, s0;
	s0 =	sadd.s32 $0xC00, s0;
	s23 =	smul.u32 $0x32000, s10  }
0x9: {  	s6 =	sor.u32 s4, s17;
	s7 =	smul.u32 $0xC8000, s4;
	s8 =	ssub.s32 $0x2, s4  }
0xa: {  	_ =	strace $0x80000047;
	s6 =	smul.u32 $0x380, s6;
	s9 =	sshrl.u32 s8, $0x1  }
0xb: {  	s4 =	smul.u32 $0x19000, s4;
	s5 =	sadd.s32 s7, s5;
	s18 =	ssub.s32 s8, s9  }
0xc: {  	s1 =	sadd.s32 s1, s6;
	s19 =	sadd.s32 $0xC000, s5;
	s20 =	smax.u32 s18, $0x1  }
0xd: {  	s21 =	sadd.s32 $0x8000, s5;
	s24 =	sor.u32 $0x4000, s5;
	s6 =	sadd.s32 s23, s0  }
0xe: {  	s5 =	sadd.s32 $0x10000, s5;
	s18 =	simm.s32 $0xDC00;
	[dreg:$0x3] =	wrdreg s1  }
0xf: {  	s23 =	simm.s32 $0x3;
	[dreg:$0x4] =	wrdreg s20;
	s1 =	sshrl.u32 s19, $0x3  }
0x10: {  	s22 =	sshrl.u32 s21, $0x3;
	s25 =	sadd.s32 s4, s6;
	s26 =	sshrl.u32 s5, $0x3  }
0x11: {  	s19 =	simm.s32 $0x1;
	s20 =	simm.s32 $0x11C00;
	s1 =	sadd.s32 s1, s0  }
.Ltmp0:
0x12: {  	[dreg:$0x5] =	wrdreg s1;
	s1 =	sadd.s32 s22, s0;
	(pc) =	sbr.rel .LBB2_1-.Ltmp0, $4  }
0x13: {  	s21 =	simm.s32 $0x2;
	[dreg:$0x6] =	wrdreg s1;
	s1 =	sshrl.u32 s24, $0x3  }
0x14: {  	[dreg:$0x8] =	wrdreg s25;
	s25 =	simm.s32 $0x4;
	s1 =	sadd.s32 s1, s0  }
0x15: {  	s22 =	simm.s32 $0x6;
	s0 =	sadd.s32 s26, s0;
	[dreg:$0x7] =	wrdreg s1  }
0x16: {  	s24 =	simm.s32 $0x7;
	s26 =	simm.s32 $0x8;
	[dreg:$0x9] =	wrdreg s0  }
.LBB2_4:
0x17: {  	_ =	swait.ge [sflag:s30], $0x4000  }
0x18: {  	s31 =	sadd.s32 $0x1, s31;
	s0 =	rddreg [dreg:$0x4]  }
0x19: {  	p0 =	sne.s32 s31, s0  }
.Ltmp1:
0x1a: {  	_ = 	snop;
	(pc) =	sbr.rel @!p0 .LBB2_5-.Ltmp1, $3  }
0x1b: {  	_ =	sdelay $0x1  }
0x1c: {  	[sflag:s30] =	ssyncset.done $0x0  }
0x1d: {  	[sflag:s30] =	ssyncadd.s32 $0xFFFFC000  }
.LBB2_1:
0x1e: {  	s0 =	rddreg [dreg:$0x3]  }
0x1f: {  	[tilespmem:s2], [sflag:$0xB] =	stream.linear.gather [hbm4b:s0+s2], $0x1900, $0x38;
	[tilespmem:$0x15C00] =	vst v63  }
0x20: {  	_ =	swait.ge [sflag:s11], $0x1900  }
0x21: {  	[sflag:s11] =	ssyncset.done $0x0;
	s10 =	rddreg [dreg:$0x9]  }
0x22: {  	s9 =	rddreg [dreg:$0x8];
	[sflag:s11] =	ssyncadd.s32 $0xFFFFE700  }
0x23: {  	[tilespmem:s13], [sflag:$0x1] =	stream.indirect.gather [hbm4b:s3+s12], $0x80, s2, s12, $0xb8;
	[tilespmem:$0x15C00] =	vst v63  }
0x24: {  	s8 =	rddreg [dreg:$0x7]  }
0x25: {  	[tilespmem:s14], [sflag:$0x2] =	stream.indirect.gather [hbm4b:s3+s12], $0x80, s12, s12, $0xb8;
	[tilespmem:$0x15C00] =	vst v63  }
0x26: {  	s15 =	simm.s32 $0x100;
	s7 =	rddreg [dreg:$0x6]  }
0x27: {  	[tilespmem:s16], [sflag:$0x3] =	stream.indirect.gather [hbm4b:s3+s12], $0x80, s15, s12, $0xb8;
	[tilespmem:$0x15C00] =	vst v63  }
0x28: {  	s17 =	simm.s32 $0x180;
	s5 =	simm.s32 $0x0;
	s6 =	rddreg [dreg:$0x5]  }
0x29: {  	[tilespmem:s18], [sflag:$0x4] =	stream.indirect.gather [hbm4b:s3+s12], $0x80, s17, s12, $0xb8;
	[tilespmem:$0x15C00] =	vst v63  }
.LBB2_2:
0x2a: {  	_ =	swait.ge [sflag:s19], $0x4000  }
0x2b: {  	p0 =	seq.s32 s5, $0x0;
	[sflag:s19] =	ssyncset.done $0x0  }
0x2c: {  	s17 =	simm.s32 @!p0 $0xA;
	[sflag:s19] =	ssyncadd.s32 $0xFFFFC000  }
0x2d: {  	[hbm4b:s9+s2] =	stream.linear.scatter [tilespmem:s13], [sflag:$0x6], $0x4000, $0x38;
	[tilespmem:$0x15C00] =	vst v63  }
0x2e: {  	_ =	swait.ge @!p0 [sflag:s17], $0x4000  }
0x2f: {  	s4 =	sshra.s32 s5, $0x2;
	[sflag:s17] =	ssyncset.done @!p0 $0x0  }
0x30: {  	s15 =	sadd.s32 $0x200, s4;
	[sflag:s17] =	ssyncadd.s32 @!p0 $0xFFFFC000  }
0x31: {  	[tilespmem:s20], [sflag:$0x5] =	stream.indirect.gather [hbm4b:s3+s12], $0x80, s15, s12, $0xb8;
	[tilespmem:$0x15C00] =	vst v63  }
0x32: {  	_ =	swait.ge [sflag:s21], $0x4000  }
0x33: {  	[sflag:s21] =	ssyncset.done $0x0  }
0x34: {  	[sflag:s21] =	ssyncadd.s32 $0xFFFFC000  }
0x35: {  	[hbm4b:s8+s2] =	stream.linear.scatter [tilespmem:s14], [sflag:$0x7], $0x4000, $0x38;
	[tilespmem:$0x15C00] =	vst v63  }
0x36: {  	p0 =	seq.s32 s5, $0x5A00;
	_ =	swait.ge [sflag:s22], $0x4000  }
0x37: {  	s17 =	sshra.s32 @!p0 s5, $0x2;
	s1 =	simm.s32 @!p0 $0x80;
	[sflag:s22] =	ssyncset.done $0x0  }
0x38: {  	s0 =	simm.s32 @!p0 $0x1C00;
	s15 =	sadd.s32 @!p0 $0x280, s17;
	[sflag:s22] =	ssyncadd.s32 $0xFFFFC000  }
0x39: {  	[tilespmem:s0], [sflag:$0x1] =	stream.indirect.gather @!p0 [hbm4b:s3+s1], $0x80, s15, s1, $0xb8;
	[tilespmem:$0x15C00] =	vst v63  }
0x3a: {  	_ =	swait.ge [sflag:s23], $0x4000  }
0x3b: {  	[sflag:s23] =	ssyncset.done $0x0  }
0x3c: {  	[sflag:s23] =	ssyncadd.s32 $0xFFFFC000  }
0x3d: {  	[hbm4b:s7+s2] =	stream.linear.scatter [tilespmem:s16], [sflag:$0x8], $0x4000, $0x38;
	[tilespmem:$0x15C00] =	vst v63  }
0x3e: {  	_ =	swait.ge [sflag:s24], $0x4000  }
0x3f: {  	[sflag:s24] =	ssyncset.done $0x0  }
0x40: {  	s0 =	sadd.s32 @!p0 $0x300, s17;
	s15 =	simm.s32 @!p0 $0x5C00;
	[sflag:s24] =	ssyncadd.s32 $0xFFFFC000  }
0x41: {  	[tilespmem:s15], [sflag:$0x2] =	stream.indirect.gather @!p0 [hbm4b:s3+s1], $0x80, s0, s1, $0xb8;
	[tilespmem:$0x15C00] =	vst v63  }
0x42: {  	_ =	swait.ge [sflag:s25], $0x4000  }
0x43: {  	[sflag:s25] =	ssyncset.done $0x0  }
0x44: {  	[sflag:s25] =	ssyncadd.s32 $0xFFFFC000  }
0x45: {  	[hbm4b:s6+s2] =	stream.linear.scatter [tilespmem:s18], [sflag:$0x9], $0x4000, $0x38;
	[tilespmem:$0x15C00] =	vst v63  }
0x46: {  	_ =	swait.ge [sflag:s26], $0x4000  }
0x47: {  	[sflag:s26] =	ssyncset.done $0x0  }
0x48: {  	s0 =	sadd.s32 @!p0 $0x380, s17;
	s15 =	simm.s32 @!p0 $0x9C00;
	[sflag:s26] =	ssyncadd.s32 $0xFFFFC000  }
0x49: {  	[tilespmem:s15], [sflag:$0x3] =	stream.indirect.gather @!p0 [hbm4b:s3+s1], $0x80, s0, s1, $0xb8;
	[tilespmem:$0x15C00] =	vst v63  }
0x4a: {  	_ =	swait.ge [sflag:s28], $0x4000  }
0x4b: {  	[sflag:s28] =	ssyncset.done $0x0  }
.Ltmp2:
0x4c: {  	[sflag:s28] =	ssyncadd.s32 $0xFFFFC000;
	(pc) =	sbr.rel @p0 .LBB2_4-.Ltmp2, $4  }
0x4d: {  	[hbm4b:s10+s2] =	stream.linear.scatter [tilespmem:s20], [sflag:$0xA], $0x4000, $0x38;
	[tilespmem:$0x15C00] =	vst v63  }
0x4e: {  	_ =	swait.ge [sflag:s29], $0x4000  }
0x4f: {  	[sflag:s29] =	ssyncset.done $0x0  }
0x50: {  	[sflag:s29] =	ssyncadd.s32 $0xFFFFC000  }
.Ltmp3:
0x51: {  	(pc) =	sbr.rel .LBB2_2-.Ltmp3, $4  }
0x52: {  	s0 =	sadd.s32 $0x400, s4  }
0x53: {  	s5 =	sadd.s32 $0xA00, s5;
	s6 =	sadd.s32 $0x2800, s6;
	s7 =	sadd.s32 $0x2800, s7  }
0x54: {  	s8 =	sadd.s32 $0x2800, s8;
	s9 =	sadd.s32 $0x2800, s9;
	s10 =	sadd.s32 $0x2800, s10  }
0x55: {  	[tilespmem:s18], [sflag:$0x4] =	stream.indirect.gather [hbm4b:s3+s12], $0x80, s0, s12, $0xb8;
	[tilespmem:$0x15C00] =	vst v63  }
.LBB2_5:
0x56: {  	_ =	sfence.sel $0x180000  }
0x57: {  	[bflag:$0x0] =	sbarrier.arrive $0xFFFF  }
0x58: {  	_ =	strace $0x90000047  }
0x59: {  	s0 =	stileid.u32;
	[bflag:$0x2] =	sbarrier.arrive $0xFFFF  }
0x5a: {  	p0 =	sne.s32 s0, $0x0;
	s0 =	rddreg [dreg:$0x2]  }
0x5b: {  	s0 =	sadd.s32 @!p0 $0x100000, s0  }
0x5c: {  	[sflag:s0] =	ssyncadd.tile.s32 @!p0 $0x1;
	_ =	shalt  }
.Lfunc_end2:
_tile_overlayer_lowered:
.L_overlay_start_2:
0x5d: {  	(tag) =	ssettag $0x2  }
0x5e: {  	s0 =	rddreg [dreg:$0x0];
	s2 =	stileid.u32  }
0x5f: {  	s1 =	rddreg [dreg:$0x1];
	p0 =	sne.s32 s2, $0x0  }
0x60: {  	s3 =	rddreg [dreg:$0x2];
	[bflag:$0x3] =	sbarrier.arrive $0xFFFF;
	s2 =	simm.s32 @!p0 $0x1C0B  }
0x61: {  	[timem:s3], [sflag:s2] =	dma.local @!p0 [hbm:s0], s1  }
0x62: {  	s0 =	simm.s32 @!p0 $0xB  }
0x63: {  	_ =	swait.ge @!p0 [sflag:s0], s1  }
0x64: {  	s1 =	ssub.s32 @!p0 $0x0, s1;
	[sflag:s0] =	ssyncset.done @!p0 $0x0  }
0x65: {  	[sflag:s0] =	ssyncadd.s32 @!p0 s1  }
0x66: {  	[bflag:$0x3] =	sbarrier.arrive $0xFFFF  }
0x67: {  	_ =	shalt  }

// kernel: sparse-core-data-format-call.cloned.1.call-start
scs
called_computation_lowered:
.L_overlay_start_0:
0x0: {  	s2 =	sld [smem:$0x3FD9]  }
0x1: {  	s3 =	sld [smem:$0x3FFE];
	_ =	sdelay $0x1  }
0x2: {  	s1 =	srdreg.scid  }
0x3: {  	s0 =	sand.u32 $0x1, s1  }
0x4: {  	s18 =	sshll.u32 s0, $0xA;
	s2 =	sadd.s32 s3, s2  }
0x5: {  	s2 =	sadd.s32 s2, s18  }
0x6: {  	[smem:$0x3FC5] =	sst s2  }
0x7: {  	_ = 	snop  }
0x8: {  	s2 =	sld [smem:$0x3FD0];
	(tm) =	ssettm $0x1  }
0x9: {  	s19 =	sld [smem:$0x3FFB];
	_ =	sdelay $0x3  }
0xa: {  	_ =	strace s19  }
0xb: {  	s3 =	sld [smem:$0x3FFC];
	_ =	sdelay $0x3  }
0xc: {  	_ =	strace s3  }
0xd: {  	s3 =	sld [smem:$0x3FFD];
	_ =	sdelay $0x3  }
0xe: {  	_ =	strace s3  }
0xf: {  	_ =	strace $0x8FFFFFFF  }
0x10: {  	s20 =	sld [smem:$0x3FDB];
	_ =	sdelay $0x1  }
0x11: {  	s4 =	simm.s32 $_scs_section_size  }
0x12: {  	s5 =	simm.s32 $_size__tile_overlayer_lowered;
	s6 =	simm.s32 $_tile_overlayer_lowered  }
0x13: {  	s23 =	simm.s32 $0x1BFF;
	s22 =	sshll.u32 s6, $0x1;
	s3 =	sadd.s32 s4, s20  }
0x14: {  	s7 =	simm.s32 $0x0;
	s21 =	sshll.u32 s5, $0x1;
	s5 =	sadd.s32 s22, s3  }
0x15: {  	[timem:s7], [sflag:s23] =	dma.local [hbm:s5], s21  }
0x16: {  	_ =	swait.ge [sflag:s23], s21  }
0x17: {  	s4 =	ssub.s32 $0x0, s21;
	[sflag:s23] =	ssyncset.done $0x0  }
0x18: {  	[sflag:s23] =	ssyncadd.s32 s4;
	_ =	sdelay $0x1  }
0x19: {  	s24 =	simm.s32 $0x1B8B  }
0x1a: {  	_ =	swait.ge [sflag:s24], $0x1  }
0x1b: {  	[sflag:s24] =	ssyncset.done $0x0  }
0x1c: {  	s26 =	simm.s32 $0x1B8E;
	s25 =	sld [smem:$0x3FFE];
	[sflag:s24] =	ssyncadd.s32 $0xFFFFFFFF  }
0x1d: {  	s27 =	simm.s32 $execute0_lowered;
	[smem:$0x3FD2] =	sst s26  }
0x1e: {  	s5 =	sshll.u32 s27, $0x1;
	_ =	strace $0x80000049;
	[dreg:$0x1] =	wrdreg $0xFFFFFFFF  }
0x1f: {  	s28 =	simm.s32 $_size_execute0_lowered;
	s3 =	sadd.s32 s3, s5;
	[dreg:$0x0] =	wrdreg $0x0  }
0x20: {  	s5 =	sshll.u32 s28, $0x1;
	[dreg:$0x2] =	wrdreg s3  }
0x21: {  	[dreg:$0x3] =	wrdreg s5  }
0x22: {  	[dreg:$0x4] =	wrdreg $0xC0  }
0x23: {  	_ =	task [dreg:s7], $0x5FFFF  }
0x24: {  	[dreg:$0x1] =	wrdreg $0xFFFFFFFF  }
0x25: {  	[dreg:$0x0] =	wrdreg $0x60  }
0x26: {  	[dreg:$0x2] =	wrdreg s25  }
0x27: {  	[dreg:$0x3] =	wrdreg s2  }
0x28: {  	[dreg:$0x4] =	wrdreg $0x9  }
0x29: {  	_ =	task.clear_ibuf [dreg:s7], $0x5FFFF;
	_ =	strace $0x90000049  }
0x2a: {  	s29 =	simm.s32 $0x9;
	_ =	strace $0x8000004B  }
0x2b: {  	_ =	swait.ge [sflag:s29], $0x1  }
0x2c: {  	[sflag:s29] =	ssyncadd.s32 $0xFFFFFFFF  }
0x2d: {  	_ =	strace $0x9000004B  }
0x2e: {  	_ =	sfence  }
0x2f: {  	s30 =	sld [smem:$0x0];
	_ =	sdelay $0x2  }
0x30: {  	s31 =	sshll.u32 s1, $0xD;
	s1 =	sshrl.u32 s1, $0x2  }
0x31: {  	s3 =	sand.u32 $0x4000, s31;
	s1 =	sadd.s32 s1, s30  }
0x32: {  	s0 =	sor.u32 s3, s0;
	s1 =	sshll.u32 s1, $0x11  }
0x33: {  	s0 =	sor.u32 s1, s0  }
0x34: {  	s0 =	sadd.s32 $0x8F2B, s0  }
0x35: {  	[sflag:s0] =	ssyncadd.remote.s32 $0x1  }
0x36: {  	_ =	sfence.sel $0xFFFF  }
0x37: {  	[dreg:$0x0] =	wrdreg $0xFFFFFFFF;
	(pc) =	sbr.abs _section_cstart, $3  }
0x38: {  	[dreg:$0x1] =	wrdreg $0xFFFFFFFF  }
0x39: {  	_ =	task.clear_ibuf [dreg:s7], $0x2FFFF;
	_ =	strace $0x9FFFFFFF  }
0x3a: {  	(tm) =	ssettm $0x7FFFFFFF  }
0x3b: {  	_ =	shalt  }
tec
execute0_lowered:
.L_overlay_start_1:
0x0: {  	(tag) =	ssettag $0x1  }
0x1: {  	s0 =	stileid.u32;
	s6 =	rddreg [dreg:$0x0]  }
0x2: {  	s2 =	rddreg [dreg:$0x1];
	s5 =	srdreg.scid  }
0x3: {  	s31 =	simm.s32 $0x2;
	s13 =	simm.s32 $0x0;
	s1 =	sshll.u32 s0, $0x7  }
0x4: {  	s14 =	simm.s32 $0x0;
	s12 =	simm.s32 $0x0;
	s3 =	sand.u32 $0x380, s1  }
0x5: {  	s5 =	sshll.u32 s5, $0x4;
	s6 =	sadd.s32 $0xC00, s6;
	s4 =	ssub.s32 $0x400, s3  }
0x6: {  	s1 =	rddreg [dreg:$0x2];
	_ =	strace $0x8000004A;
	s7 =	sand.u32 $0x380, s4  }
0x7: {  	s5 =	sand.u32 $0x10, s5;
	p0 =	sne.s32 s7, $0x0;
	s7 =	simm.s32 $0x1  }
.Ltmp0:
0x8: {  	s8 =	sshrl.u32 s4, $0xA;
	s7 =	simm.s32 @!p0 $0x0;
	(pc) =	sbr.rel .LBB1_1-.Ltmp0, $4  }
0x9: {  	s9 =	sor.u32 s0, s5;
	s4 =	simm.s32 $0x1;
	s30 =	sadd.s32 s7, s8  }
0xa: {  	s11 =	smov.u32 s3;
	[sflag:s4] =	ssyncpa.u1 $0x0;
	s5 =	smul.u32 $0x32, s30  }
0xb: {  	[sflag:s31] =	ssyncpa.u1 $0x0;
	p0 =	por $0x0, $0x0;
	s7 =	sshrl.u32 s9, $0x3  }
0xc: {  	s9 =	simm.s32 $0x2000;
	s10 =	smov.u32 s7;
	s8 =	sor.u32 $0x1, s5  }
.LBB1_4:
0xd: {  	s17 =	sand.u32 $0x1F80, s14;
	s13 =	sshll.u32 s13, $0xD  }
0xe: {  	[tilespmem:s16+$0x810 ss:$0x81] =	vst.msk $0xffff, v2;
	s18 =	sshrl.u32 s14, $0x3;
	s31 =	sand.u32 $0x7, s14;
	s17 =	sadd.s32 s2, s17  }
0xf: {  	[tilespmem:s16+$0x1020 ss:$0x81] =	vst.msk $0xffff, v0;
	s18 =	sand.u32 $0xF, s18;
	s14 =	sshll.u32 s31, $0x12;
	s13 =	sadd.s32 s13, s17  }
0x10: {  	[tilespmem:s16+$0x0 ss:$0x81] =	vst.msk $0xffff, v1;
	s14 =	sor.u32 $0x400, s14;
	s13 =	sadd.s32 s18, s13  }
0x11: {  	[hbm4b:s13+s14] =	stream.strided.scatter [tilespmem:s15], [sflag:$0x2], $0x2000, s9, s14, $0x20;
	[tilespmem:$0x8080] =	vst v63  }
.LBB1_5:
0x12: {  	s15 =	sadd.s32 $0x4, s10  }
0x13: {  	s13 =	sadd.s32 $0x400, s11;
	s17 =	smov.u32 s11;
	p2 =	sgt.s32 s15, $0xC7  }
0x14: {  	s17 =	smov.u32 @p2 s13  }
0x15: {  	s15 =	smov.u32 @p2 s7;
	p2 =	sgt.s32 s17, $0x3FF  }
0x16: {  	s17 =	smov.u32 @p2 s3;
	p2 =	sne.s32 s12, s8  }
.Ltmp1:
0x17: {  	p1 =	slt.u32 s12, $0x2;
	(pc) =	sbr.rel @!p2 .LBB1_6-.Ltmp1, $4  }
0x18: {  	s16 =	simm.s32 @!p1 $0x2  }
0x19: {  	s14 =	smov.u32 s11;
	p0 =	por !p0, !p0;
	_ =	swait.ge @!p1 [sflag:s16], $0x2000  }
0x1a: {  	s13 =	smov.u32 s10;
	[sflag:s16] =	ssyncset.done @!p1 $0x0;
	s10 =	smov.u32 s15  }
0x1b: {  	s12 =	sadd.s32 $0x1, s12;
	[sflag:s16] =	ssyncadd.s32 @!p1 $0xFFFFE000;
	s11 =	smov.u32 s17  }
.LBB1_1:
0x1c: {  	p1 =	sge.u32 s12, s5  }
0x1d: {  	s15 =	sand.u32 @!p1 $0x1FFFFFF, s10  }
0x1e: {  	s16 =	smulhi.u32 @!p1 $0x147AE15, s15;
	_ =	sdelay $0x1  }
0x1f: {  	s16 =	smul.u32 @!p1 $0xC8, s16  }
0x20: {  	s17 =	sxor.u32 @!p1 $0xFFFFFFFF, s12;
	s18 =	smul.u32 @!p1 $0xC80, s11  }
0x21: {  	s31 =	sadd.s32 $0xFFFFFFFF, s12;
	s17 =	sshll.u32 @!p1 s17, $0xD;
	s15 =	ssub.s32 @!p1 s15, s16  }
0x22: {  	s16 =	sand.u32 @!p1 $0x2000, s17;
	s17 =	sadd.s32 @!p1 s6, s18;
	s15 =	sshll.u32 @!p1 s15, $0x4  }
0x23: {  	s18 =	simm.s32 @!p1 $0x6400;
	s15 =	sadd.s32 @!p1 s15, s17;
	s17 =	simm.s32 @!p1 $0x40  }
0x24: {  	[tilespmem:s16], [sflag:$0x1] =	stream.strided.gather @!p1 [hbm4b:s15+s17], $0x2000, s18, s17, $0x38;
	[tilespmem:$0x8080] =	vst v63  }
0x25: {  	p1 =	sge.u32 s31, s5  }
.Ltmp2:
0x26: {  	_ = 	snop;
	(pc) =	sbr.rel @p1 .LBB1_5-.Ltmp2, $1  }
0x27: {  	_ =	sdelay $0x3  }
0x28: {  	s15 =	simm.s32 $0x1  }
0x29: {  	_ =	swait.ge [sflag:s4], $0x2000;
	s15 =	simm.s32 @!p0 $0x0  }
0x2a: {  	[sflag:s4] =	ssyncset.done $0x0;
	s16 =	sshll.u32 s15, $0xD  }
0x2b: {  	[sflag:s4] =	ssyncadd.s32 $0xFFFFE000;
	s19 =	sor.u32 $0x20, s16  }
0x2c: {  	s15 =	smul.u32 $0x8100, s15;
	v3 =	vld [tilespmem:s19+$0x10]  }
0x2d: {  	s30 =	sand.u32 $0x1, s12;
	v2 =	vld [tilespmem:s19+$0xFFFFFFF0]  }
0x2e: {  	s16 =	smul.u32 $0x8100, s30;
	s15 =	sshrl.u32 s15, $0x2;
	v0 =	vld [tilespmem:s19+$0x0]  }
0x2f: {  	v1 =	vld [tilespmem:s19+$0xFFFFFFE0];
	s17 =	sor.u32 $0x4000, s15  }
0x30: {  	s31 =	sshrl.u32 s16, $0x2;
	s16 =	sadd.s32 $0x0, s17  }
0x31: {  	s18 =	simm.s32 $0x4;
	s19 =	sadd.s32 $0x40, s19;
	s15 =	sor.u32 $0x4000, s31;
	[tilespmem:s16+$0x1830 ss:$0x81] =	vst.msk $0xffff, v3  }
.LBB1_3:
0x32: {  	v3 =	vld [tilespmem:s19+$0x10];
	p1 =	sne.s32 s18, $0x1FC;
	[tilespmem:s16+$0x810 ss:$0x81] =	vst.msk $0xffff, v2;
	s20 =	smov.u32 s18;
	s18 =	sadd.s32 $0x4, s18  }
.Ltmp3:
0x33: {  	v2 =	vld [tilespmem:s19+$0xFFFFFFF0];
	[tilespmem:s16+$0x1020 ss:$0x81] =	vst.msk $0xffff, v0;
	(pc) =	sbr.rel @p1 .LBB1_3-.Ltmp3, $4  }
0x34: {  	v0 =	vld [tilespmem:s19+$0x0];
	[tilespmem:s16+$0x0 ss:$0x81] =	vst.msk $0xffff, v1  }
0x35: {  	s16 =	sshra.s32 s20, $0x2;
	v1 =	vld [tilespmem:s19+$0xFFFFFFE0]  }
0x36: {  	s16 =	sadd.s32 s16, s17  }
0x37: {  	s19 =	sadd.s32 $0x40, s19;
	[tilespmem:s16+$0x1830 ss:$0x81] =	vst.msk $0xffff, v3  }
.Ltmp4:
0x38: {  	_ = 	snop;
	(pc) =	sbr.rel .LBB1_4-.Ltmp4, $1  }
0x39: {  	_ =	sdelay $0x3  }
.LBB1_6:
0x3a: {  	_ =	sfence.sel $0x180000  }
0x3b: {  	s2 =	simm.s32 $0x1;
	[bflag:$0x0] =	sbarrier.arrive $0xFFFF  }
0x3c: {  	s31 =	simm.s32 $0x2;
	[sflag:s2] =	ssyncpa.u1 $0x1  }
0x3d: {  	[sflag:s31] =	ssyncpa.u1 $0x1  }
0x3e: {  	p0 =	sne.s32 s0, $0x0;
	_ =	strace $0x9000004A  }
0x3f: {  	s0 =	sadd.s32 @!p0 $0x100000, s1;
	[bflag:$0x2] =	sbarrier.arrive $0xFFFF  }
0x40: {  	[sflag:s0] =	ssyncadd.tile.s32 @!p0 $0x1;
	_ =	shalt  }
.Lfunc_end1:
_tile_overlayer_lowered:
.L_overlay_start_2:
0x41: {  	(tag) =	ssettag $0x2  }
0x42: {  	s0 =	rddreg [dreg:$0x0];
	s2 =	stileid.u32  }
0x43: {  	s1 =	rddreg [dreg:$0x1];
	p0 =	sne.s32 s2, $0x0  }
0x44: {  	s3 =	rddreg [dreg:$0x2];
	[bflag:$0x3] =	sbarrier.arrive $0xFFFF;
	s2 =	simm.s32 @!p0 $0x1C01  }
0x45: {  	[timem:s3], [sflag:s2] =	dma.local @!p0 [hbm:s0], s1  }
0x46: {  	s0 =	simm.s32 @!p0 $0x1  }
0x47: {  	_ =	swait.ge @!p0 [sflag:s0], s1  }
0x48: {  	s1 =	ssub.s32 @!p0 $0x0, s1;
	[sflag:s0] =	ssyncset.done @!p0 $0x0  }
0x49: {  	[sflag:s0] =	ssyncadd.s32 @!p0 s1  }
0x4a: {  	[bflag:$0x3] =	sbarrier.arrive $0xFFFF  }
0x4b: {  	_ =	shalt  }

</sc_bundles>
